<compile_context>
chip_gen: v7x
topology: tpu7x:2x2x1
jax: 0.10.2.dev20260603
libtpu: 0.0.44.dev20260713+nightly
codegen_flags: <defaults>
</compile_context>

<pallas_src>
import functools

import jax
import jax.numpy as jnp
from jax import lax
from jax.experimental import pallas as pl
from jax.experimental.pallas import tpu as pltpu
from jax.experimental.pallas import tpu_sc as plsc

NUM_EMB = 1000000
D = 128
C0, C1 = 20000, 200000
V2 = NUM_EMB - C1
_DNT = (((1,), (1,)), ((), ()))
_DN = (((1,), (0,)), ((), ()))


def _b_body(t2p, w2big, donor, out):
    res = lax.dot_general(t2p[...], w2big[...], _DN,
                          preferred_element_type=jnp.float32)
    out[...] = res.reshape(6400, D)


def _build_p_cluster2(t2p, w2big, donor):
    return pl.pallas_call(
        _b_body,
        grid=(125,),
        in_specs=[
            pl.BlockSpec((400, 128), lambda i: (i, 0)),
            pl.BlockSpec((128, 2048), lambda i: (0, 0)),
            pl.BlockSpec(memory_space=pl.ANY),
        ],
        out_specs=pl.BlockSpec((6400, D), lambda i: (i, 0)),
        out_shape=jax.ShapeDtypeStruct((NUM_EMB, D), jnp.float32),
        input_output_aliases={2: 0},
    )(t2p, w2big, donor)


def _a_body(t0, w0, t1, w1, out):
    i = pl.program_id(0)

    @pl.when(i < 5)
    def _():
        out[...] = lax.dot_general(t0[...], w0[...], _DNT,
                                   preferred_element_type=jnp.float32)

    @pl.when(i >= 5)
    def _():
        out[...] = lax.dot_general(t1[...].astype(jnp.bfloat16), w1[...],
                                   _DNT, preferred_element_type=jnp.float32)


def _build_p_cluster01(t0, w0, t1p, w1big):
    return pl.pallas_call(
        _a_body,
        grid=(50,),
        in_specs=[
            pl.BlockSpec((4000, 128), lambda i: (jnp.clip(i, 0, 4), 0)),
            pl.BlockSpec((D, 128), lambda i: (0, 0)),
            pl.BlockSpec((4000, 32), lambda i: (jnp.clip(i - 5, 0, 44), 0)),
            pl.BlockSpec((D, 32), lambda i: (0, 0)),
        ],
        out_specs=pl.BlockSpec((4000, D), lambda i: (200 + i, 0)),
        out_shape=jax.ShapeDtypeStruct((NUM_EMB, D), jnp.float32),
    )(t0, w0, t1p, w1big)


def _expand_weight(w, packs):
    eye = jnp.eye(packs, dtype=jnp.float32)
    big = jnp.einsum("ij,kd->ikjd", eye, w.T)
    return big.reshape(packs * w.shape[1], packs * D)


_info = plsc.get_sparse_core_info()
_NC, _NS = _info.num_cores, _info.num_subcores
_NW = _NC * _NS


def _make_gather(n_tokens):
    assert n_tokens % _NW == 0
    b_per_w = n_tokens // _NW
    chunk = 400
    assert b_per_w % (2 * chunk) == 0
    n_pairs = b_per_w // (2 * chunk)
    mesh = plsc.VectorSubcoreMesh(core_axis_name="c", subcore_axis_name="s")

    @functools.partial(
        pl.kernel,
        mesh=mesh,
        out_type=jax.ShapeDtypeStruct((n_tokens, D), jnp.float32),
        scratch_types=[
            pltpu.VMEM((chunk,), jnp.int32),
            pltpu.VMEM((chunk,), jnp.int32),
            pltpu.VMEM((chunk, D), jnp.float32),
            pltpu.VMEM((chunk, D), jnp.float32),
            pltpu.SemaphoreType.DMA,
            pltpu.SemaphoreType.DMA,
            pltpu.SemaphoreType.DMA,
            pltpu.SemaphoreType.DMA,
        ],
    )
    def gather_k(idx_hbm, p_hbm, out_hbm, idx_a, idx_b, rows_a, rows_b,
                 sg_a, sg_b, sw_a, sw_b):
        wid = lax.axis_index("s") * _NC + lax.axis_index("c")
        base = wid * b_per_w

        def load_idx(j, idx_v):
            pltpu.sync_copy(idx_hbm.at[pl.ds(base + j * chunk, chunk)], idx_v)

            def remap(k, carry):
                v = idx_v[pl.ds(k * 16, 16)] + V2
                idx_v[pl.ds(k * 16, 16)] = jnp.where(
                    v >= NUM_EMB, v - NUM_EMB, v)
                return carry

            lax.fori_loop(0, chunk // 16, remap, 0)

        load_idx(0, idx_a)
        pltpu.async_copy(p_hbm.at[idx_a], rows_a, sg_a)
        load_idx(1, idx_b)
        pltpu.async_copy(p_hbm.at[idx_b], rows_b, sg_b)

        def pair(k, carry):
            j0 = 2 * k
            off0 = base + j0 * chunk
            pltpu.make_async_copy(p_hbm.at[idx_a], rows_a, sg_a).wait()
            pltpu.async_copy(rows_a, out_hbm.at[pl.ds(off0, chunk)], sw_a)

            @pl.when(k < n_pairs - 1)
            def _():
                pltpu.make_async_copy(
                    rows_a, out_hbm.at[pl.ds(base, chunk)], sw_a).wait()
                load_idx(j0 + 2, idx_a)
                pltpu.async_copy(p_hbm.at[idx_a], rows_a, sg_a)

            pltpu.make_async_copy(p_hbm.at[idx_b], rows_b, sg_b).wait()
            pltpu.async_copy(rows_b, out_hbm.at[pl.ds(off0 + chunk, chunk)],
                             sw_b)

            @pl.when(k < n_pairs - 1)
            def _():
                pltpu.make_async_copy(
                    rows_b, out_hbm.at[pl.ds(base, chunk)], sw_b).wait()
                load_idx(j0 + 3, idx_b)
                pltpu.async_copy(p_hbm.at[idx_b], rows_b, sg_b)

            return carry

        lax.fori_loop(0, n_pairs, pair, 0)
        pltpu.make_async_copy(rows_a, out_hbm.at[pl.ds(base, chunk)],
                              sw_a).wait()
        pltpu.make_async_copy(rows_b, out_hbm.at[pl.ds(base, chunk)],
                              sw_b).wait()

    return gather_k


def kernel(emb_input, table0, W0, table1, W1, table2, W2):
    bsz, slen = emb_input.shape
    n = bsz * slen
    t2p = table2.reshape(50000, 128).astype(jnp.bfloat16)
    w2big = _expand_weight(W2, 16).astype(jnp.bfloat16)
    p01 = _build_p_cluster01(table0, W0, table1, W1.astype(jnp.bfloat16))
    proj = _build_p_cluster2(t2p, w2big, p01)
    flat = emb_input.reshape(n)
    out = _make_gather(n)(flat, proj)
    return out.reshape(bsz, slen, D)

# --- scband reference (transcript-rebuilt; emitter-appended) ---
"""Pipeline reference for scband-adaptive-embedding-71150428225573 (READ-ONLY COPY).

The authoritative reference and input builder live on the scoring server;
editing this copy changes nothing except your own understanding.
"""

import jax, jax.numpy as jnp
import numpy as np

NUM_EMB = 1000000
D = 128
CUTOFFS = [20000, 200000]
DIV = 4.0
EDGES = [0] + CUTOFFS + [NUM_EMB]
N_CLUSTERS = len(CUTOFFS) + 1
B, S = 4096, 200


def setup_inputs(seed: int = 0) -> dict:
    key = jax.random.key(seed)
    ks = jax.random.split(key, 1 + 2 * N_CLUSTERS)
    inp = {}
    inp["emb_input"] = jax.random.randint(ks[0], (B, S), 0, NUM_EMB, dtype=jnp.int32)
    for i in range(N_CLUSTERS):
        hsz = int(D // DIV ** i)
        vsz = EDGES[i + 1] - EDGES[i]
        inp[f"table{i}"] = jax.random.normal(ks[1 + 2 * i], (vsz, hsz), dtype=jnp.float32) * 0.02
        inp[f"W{i}"] = jax.random.normal(ks[2 + 2 * i], (D, hsz), dtype=jnp.float32) * 0.02
    return inp


def reference(emb_input, table0, W0, table1, W1, table2, W2):
    tables = [table0, table1, table2]
    Ws = [W0, W1, W2]
    bsz, slen = emb_input.shape
    flat = emb_input.reshape(-1)
    out = jnp.zeros((bsz * slen, D), dtype=jnp.float32)
    for i in range(N_CLUSTERS):
        low, high = EDGES[i], EDGES[i + 1]
        mask = (flat >= low) & (flat < high)
        vsz = tables[i].shape[0]
        local = jnp.clip(flat - low, 0, vsz - 1)
        gathered = jnp.take(tables[i], local, axis=0)
        projected = gathered @ Ws[i].T
        out = jnp.where(mask[:, None], projected, out)
    return out.reshape(bsz, slen, D)

if __name__ == "__main__":
    import jax
    _d = setup_inputs()
    print(jax.jit(kernel)(*tuple(_d.values())))

</pallas_src>

<mosaic_0001>
#map = affine_map<(d0, d1) -> (0)>
#map1 = affine_map<(d0, d1) -> (0, 0)>
module attributes {stable_mosaic.version = 14 : i64} {
  func.func @gather_k(%arg0: i32, %arg1: i32, %arg2: memref<819200xi32, #tpu.memory_space<hbm>>, %arg3: memref<1000000x128xf32, #tpu.memory_space<hbm>>, %arg4: memref<819200x128xf32, #tpu.memory_space<hbm>>, %arg5: memref<400xi32, #tpu.memory_space<vmem>>, %arg6: memref<400xi32, #tpu.memory_space<vmem>>, %arg7: memref<400x128xf32, #tpu.memory_space<vmem>>, %arg8: memref<400x128xf32, #tpu.memory_space<vmem>>, %arg9: memref<!tpu.dma_semaphore, #tpu.memory_space<semaphore_mem>>, %arg10: memref<!tpu.dma_semaphore, #tpu.memory_space<semaphore_mem>>, %arg11: memref<!tpu.dma_semaphore, #tpu.memory_space<semaphore_mem>>, %arg12: memref<!tpu.dma_semaphore, #tpu.memory_space<semaphore_mem>>) attributes {dimension_semantics = [#tpu.dimension_semantics<core_parallel>, #tpu.dimension_semantics<subcore_parallel>], iteration_bounds = array<i64: 2, 16>, scalar_prefetch = 0 : i64, scratch_operands = 8 : i64, tpu.core_type = #tpu.core_type<sc_vector_subcore>, window_params = [{transform_indices = #map}, {transform_indices = #map1}, {transform_indices = #map1}]} {
    %mul3A = arith.constant 2 : i32
    %mul3A_0 = arith.muli %arg1, %mul3A : i32
    %add3A = arith.addi %mul3A_0, %arg0 : i32
    %mul3A_1 = arith.constant 25600 : i32
    %mul3A_2 = arith.muli %add3A, %mul3A_1 : i32
    %add3A_3 = arith.constant 0 : i32
    %add3A_4 = arith.addi %mul3A_2, %add3A_3 : i32
    "tpu.region"() ({
      %run_scoped3A = tpu.sem_alloc : memref<!tpu.dma_semaphore, #tpu.memory_space<semaphore_mem>>
      %dma_start3A_36 = tpu.memref_slice %arg2[%add3A_4] : memref<819200xi32, #tpu.memory_space<hbm>> -> memref<400xi32, #tpu.memory_space<hbm>>
      %dma_start3A_37 = tpu.memref_slice %arg2[%add3A_4] : memref<819200xi32, #tpu.memory_space<hbm>> -> memref<400xi32, #tpu.memory_space<hbm>>
      tpu.enqueue_dma source(%dma_start3A_37 : memref<400xi32, #tpu.memory_space<hbm>>) target(%arg5 : memref<400xi32, #tpu.memory_space<vmem>>) target_semaphore(%run_scoped3A : memref<!tpu.dma_semaphore, #tpu.memory_space<semaphore_mem>>)
      %dma_wait3A_38 = tpu.memref_slice %arg2[%add3A_4] : memref<819200xi32, #tpu.memory_space<hbm>> -> memref<400xi32, #tpu.memory_space<hbm>>
      %dma_wait3A_39 = tpu.memref_slice %arg2[%add3A_4] : memref<819200xi32, #tpu.memory_space<hbm>> -> memref<400xi32, #tpu.memory_space<hbm>>
      tpu.wait_dma2 semaphore(%run_scoped3A : memref<!tpu.dma_semaphore, #tpu.memory_space<semaphore_mem>>) src(%dma_wait3A_39 : memref<400xi32, #tpu.memory_space<hbm>>) dst(%arg5 : memref<400xi32, #tpu.memory_space<vmem>>)
      tpu.yield
    }) : () -> ()
    %scan3A = arith.constant 0 : i32
    %scan3A_5 = arith.constant 0 : i32
    %scan3A_6 = arith.constant 25 : i32
    %scan3A_7 = arith.addi %scan3A_5, %scan3A_6 : i32
    %scan3A_8 = arith.constant 1 : i32
    scf.for %scan3A_36 = %scan3A_5 to %scan3A_7 step %scan3A_8  : i32 {
      %mul3A_37 = arith.constant 16 : i32
      %mul3A_38 = arith.muli %scan3A_36, %mul3A_37 : i32
      %get3A = arith.index_cast %mul3A_38 : i32 to index
      %get3A_39 = tpu.vector_load %arg5[%get3A] {strides = array<i32>} : memref<400xi32, #tpu.memory_space<vmem>>, vector<16xi32>,
      %get3A_40 = vector.shape_cast %get3A_39 : vector<16xi32> to vector<16xi32>
      %add3A_41 = arith.constant 800000 : i32
      %add3A_42 = vector.broadcast %add3A_41 : i32 to vector<16xi32>
      %add3A_43 = arith.addi %get3A_40, %add3A_42 : vector<16xi32>
      %ge3A = arith.constant 1000000 : i32
      %ge3A_44 = vector.broadcast %ge3A : i32 to vector<16xi32>
      %ge3A_45 = arith.cmpi sge, %add3A_43, %ge3A_44 : vector<16xi32>
      %sub3A = arith.constant 1000000 : i32
      %sub3A_46 = vector.broadcast %sub3A : i32 to vector<16xi32>
      %sub3A_47 = arith.subi %add3A_43, %sub3A_46 : vector<16xi32>
      %select_n3A = arith.select %ge3A_45, %sub3A_47, %add3A_43 : vector<16xi1>, vector<16xi32>
      %mul3A_48 = arith.constant 16 : i32
      %mul3A_49 = arith.muli %scan3A_36, %mul3A_48 : i32
      %swap3A = arith.index_cast %mul3A_49 : i32 to index
      %swap3A_50 = tpu.vector_load %arg5[%swap3A] {strides = array<i32>} : memref<400xi32, #tpu.memory_space<vmem>>, vector<16xi32>,
      %swap3A_51 = vector.shape_cast %swap3A_50 : vector<16xi32> to vector<16xi32>
      %swap3A_52 = vector.shape_cast %select_n3A : vector<16xi32> to vector<16xi32>
      tpu.vector_store %arg5[%swap3A], %swap3A_52 {strides = array<i32>} : memref<400xi32, #tpu.memory_space<vmem>>, vector<16xi32>,
    }
    %scan3A_9 = arith.constant 25 : i32
    %dma_start3A = arith.constant 0 : i32
    %dma_start3A_10 = arith.constant 0 : i32
    %dma_start3A_11 = tpu.memref_slice %arg3[%dma_start3A, %dma_start3A_10] : memref<1000000x128xf32, #tpu.memory_space<hbm>> -> memref<1000000x128xf32, #tpu.memory_space<hbm>>
    tpu.enqueue_indirect_dma source(%dma_start3A_11 : memref<1000000x128xf32, #tpu.memory_space<hbm>>) target(%arg7 : memref<400x128xf32, #tpu.memory_space<vmem>>) offsets(%arg5 : memref<400xi32, #tpu.memory_space<vmem>>) semaphore(%arg9 : memref<!tpu.dma_semaphore, #tpu.memory_space<semaphore_mem>>)
    %add3A_12 = arith.constant 400 : i32
    %add3A_13 = arith.addi %mul3A_2, %add3A_12 : i32
    "tpu.region"() ({
      %run_scoped3A = tpu.sem_alloc : memref<!tpu.dma_semaphore, #tpu.memory_space<semaphore_mem>>
      %dma_start3A_36 = tpu.memref_slice %arg2[%add3A_13] : memref<819200xi32, #tpu.memory_space<hbm>> -> memref<400xi32, #tpu.memory_space<hbm>>
      %dma_start3A_37 = tpu.memref_slice %arg2[%add3A_13] : memref<819200xi32, #tpu.memory_space<hbm>> -> memref<400xi32, #tpu.memory_space<hbm>>
      tpu.enqueue_dma source(%dma_start3A_37 : memref<400xi32, #tpu.memory_space<hbm>>) target(%arg6 : memref<400xi32, #tpu.memory_space<vmem>>) target_semaphore(%run_scoped3A : memref<!tpu.dma_semaphore, #tpu.memory_space<semaphore_mem>>)
      %dma_wait3A_38 = tpu.memref_slice %arg2[%add3A_13] : memref<819200xi32, #tpu.memory_space<hbm>> -> memref<400xi32, #tpu.memory_space<hbm>>
      %dma_wait3A_39 = tpu.memref_slice %arg2[%add3A_13] : memref<819200xi32, #tpu.memory_space<hbm>> -> memref<400xi32, #tpu.memory_space<hbm>>
      tpu.wait_dma2 semaphore(%run_scoped3A : memref<!tpu.dma_semaphore, #tpu.memory_space<semaphore_mem>>) src(%dma_wait3A_39 : memref<400xi32, #tpu.memory_space<hbm>>) dst(%arg6 : memref<400xi32, #tpu.memory_space<vmem>>)
      tpu.yield
    }) : () -> ()
    %scan3A_14 = arith.constant 0 : i32
    %scan3A_15 = arith.constant 0 : i32
    %scan3A_16 = arith.constant 25 : i32
    %scan3A_17 = arith.addi %scan3A_15, %scan3A_16 : i32
    %scan3A_18 = arith.constant 1 : i32
    scf.for %scan3A_36 = %scan3A_15 to %scan3A_17 step %scan3A_18  : i32 {
      %mul3A_37 = arith.constant 16 : i32
      %mul3A_38 = arith.muli %scan3A_36, %mul3A_37 : i32
      %get3A = arith.index_cast %mul3A_38 : i32 to index
      %get3A_39 = tpu.vector_load %arg6[%get3A] {strides = array<i32>} : memref<400xi32, #tpu.memory_space<vmem>>, vector<16xi32>,
      %get3A_40 = vector.shape_cast %get3A_39 : vector<16xi32> to vector<16xi32>
      %add3A_41 = arith.constant 800000 : i32
      %add3A_42 = vector.broadcast %add3A_41 : i32 to vector<16xi32>
      %add3A_43 = arith.addi %get3A_40, %add3A_42 : vector<16xi32>
      %ge3A = arith.constant 1000000 : i32
      %ge3A_44 = vector.broadcast %ge3A : i32 to vector<16xi32>
      %ge3A_45 = arith.cmpi sge, %add3A_43, %ge3A_44 : vector<16xi32>
      %sub3A = arith.constant 1000000 : i32
      %sub3A_46 = vector.broadcast %sub3A : i32 to vector<16xi32>
      %sub3A_47 = arith.subi %add3A_43, %sub3A_46 : vector<16xi32>
      %select_n3A = arith.select %ge3A_45, %sub3A_47, %add3A_43 : vector<16xi1>, vector<16xi32>
      %mul3A_48 = arith.constant 16 : i32
      %mul3A_49 = arith.muli %scan3A_36, %mul3A_48 : i32
      %swap3A = arith.index_cast %mul3A_49 : i32 to index
      %swap3A_50 = tpu.vector_load %arg6[%swap3A] {strides = array<i32>} : memref<400xi32, #tpu.memory_space<vmem>>, vector<16xi32>,
      %swap3A_51 = vector.shape_cast %swap3A_50 : vector<16xi32> to vector<16xi32>
      %swap3A_52 = vector.shape_cast %select_n3A : vector<16xi32> to vector<16xi32>
      tpu.vector_store %arg6[%swap3A], %swap3A_52 {strides = array<i32>} : memref<400xi32, #tpu.memory_space<vmem>>, vector<16xi32>,
    }
    %scan3A_19 = arith.constant 25 : i32
    %dma_start3A_20 = arith.constant 0 : i32
    %dma_start3A_21 = arith.constant 0 : i32
    %dma_start3A_22 = tpu.memref_slice %arg3[%dma_start3A_20, %dma_start3A_21] : memref<1000000x128xf32, #tpu.memory_space<hbm>> -> memref<1000000x128xf32, #tpu.memory_space<hbm>>
    tpu.enqueue_indirect_dma source(%dma_start3A_22 : memref<1000000x128xf32, #tpu.memory_space<hbm>>) target(%arg8 : memref<400x128xf32, #tpu.memory_space<vmem>>) offsets(%arg6 : memref<400xi32, #tpu.memory_space<vmem>>) semaphore(%arg10 : memref<!tpu.dma_semaphore, #tpu.memory_space<semaphore_mem>>)
    %scan3A_23 = arith.constant 0 : i32
    %scan3A_24 = arith.constant 0 : i32
    %scan3A_25 = arith.constant 32 : i32
    %scan3A_26 = arith.addi %scan3A_24, %scan3A_25 : i32
    %scan3A_27 = arith.constant 1 : i32
    scf.for %scan3A_36 = %scan3A_24 to %scan3A_26 step %scan3A_27  : i32 {
      %mul3A_37 = arith.constant 2 : i32
      %mul3A_38 = arith.muli %mul3A_37, %scan3A_36 : i32
      %mul3A_39 = arith.constant 400 : i32
      %mul3A_40 = arith.muli %mul3A_38, %mul3A_39 : i32
      %add3A_41 = arith.addi %mul3A_2, %mul3A_40 : i32
      %dma_wait3A_42 = arith.constant 0 : i32
      %dma_wait3A_43 = arith.constant 0 : i32
      %dma_wait3A_44 = tpu.memref_slice %arg3[%dma_wait3A_42, %dma_wait3A_43] : memref<1000000x128xf32, #tpu.memory_space<hbm>> -> memref<1000000x128xf32, #tpu.memory_space<hbm>>
      tpu.wait_indirect_dma semaphore(%arg9 : memref<!tpu.dma_semaphore, #tpu.memory_space<semaphore_mem>>) src(%dma_wait3A_44 : memref<1000000x128xf32, #tpu.memory_space<hbm>>) dst(%arg7 : memref<400x128xf32, #tpu.memory_space<vmem>>)
      %dma_start3A_45 = arith.constant 0 : i32
      %dma_start3A_46 = tpu.memref_slice %arg4[%add3A_41, %dma_start3A_45] : memref<819200x128xf32, #tpu.memory_space<hbm>> -> memref<400x128xf32, #tpu.memory_space<hbm>>
      %dma_start3A_47 = arith.constant 0 : i32
      %dma_start3A_48 = tpu.memref_slice %arg4[%add3A_41, %dma_start3A_47] : memref<819200x128xf32, #tpu.memory_space<hbm>> -> memref<400x128xf32, #tpu.memory_space<hbm>>
      tpu.enqueue_dma source(%arg7 : memref<400x128xf32, #tpu.memory_space<vmem>>) target(%dma_start3A_48 : memref<400x128xf32, #tpu.memory_space<hbm>>) target_semaphore(%arg11 : memref<!tpu.dma_semaphore, #tpu.memory_space<semaphore_mem>>)
      %lt3A = arith.constant 31 : i32
      %lt3A_49 = arith.cmpi slt, %scan3A_36, %lt3A : i32
      %convert_element_type3A = arith.extui %lt3A_49 : i1 to i32
      %cond3A = arith.constant 0 : i32
      %cond3A_50 = arith.cmpi ne, %convert_element_type3A, %cond3A : i32
      scf.if %cond3A_50 {
        %dma_wait3A_65 = arith.constant 0 : i32
        %dma_wait3A_66 = tpu.memref_slice %arg4[%mul3A_2, %dma_wait3A_65] : memref<819200x128xf32, #tpu.memory_space<hbm>> -> memref<400x128xf32, #tpu.memory_space<hbm>>
        %dma_wait3A_67 = arith.constant 0 : i32
        %dma_wait3A_68 = tpu.memref_slice %arg4[%mul3A_2, %dma_wait3A_67] : memref<819200x128xf32, #tpu.memory_space<hbm>> -> memref<400x128xf32, #tpu.memory_space<hbm>>
        tpu.wait_dma2 semaphore(%arg11 : memref<!tpu.dma_semaphore, #tpu.memory_space<semaphore_mem>>) src(%arg7 : memref<400x128xf32, #tpu.memory_space<vmem>>) dst(%dma_wait3A_68 : memref<400x128xf32, #tpu.memory_space<hbm>>)
        %add3A_69 = arith.constant 2 : i32
        %add3A_70 = arith.addi %mul3A_38, %add3A_69 : i32
        %mul3A_71 = arith.constant 400 : i32
        %mul3A_72 = arith.muli %add3A_70, %mul3A_71 : i32
        %add3A_73 = arith.addi %mul3A_2, %mul3A_72 : i32
        "tpu.region"() ({
          %run_scoped3A = tpu.sem_alloc : memref<!tpu.dma_semaphore, #tpu.memory_space<semaphore_mem>>
          %dma_start3A_83 = tpu.memref_slice %arg2[%add3A_73] : memref<819200xi32, #tpu.memory_space<hbm>> -> memref<400xi32, #tpu.memory_space<hbm>>
          %dma_start3A_84 = tpu.memref_slice %arg2[%add3A_73] : memref<819200xi32, #tpu.memory_space<hbm>> -> memref<400xi32, #tpu.memory_space<hbm>>
          tpu.enqueue_dma source(%dma_start3A_84 : memref<400xi32, #tpu.memory_space<hbm>>) target(%arg5 : memref<400xi32, #tpu.memory_space<vmem>>) target_semaphore(%run_scoped3A : memref<!tpu.dma_semaphore, #tpu.memory_space<semaphore_mem>>)
          %dma_wait3A_85 = tpu.memref_slice %arg2[%add3A_73] : memref<819200xi32, #tpu.memory_space<hbm>> -> memref<400xi32, #tpu.memory_space<hbm>>
          %dma_wait3A_86 = tpu.memref_slice %arg2[%add3A_73] : memref<819200xi32, #tpu.memory_space<hbm>> -> memref<400xi32, #tpu.memory_space<hbm>>
          tpu.wait_dma2 semaphore(%run_scoped3A : memref<!tpu.dma_semaphore, #tpu.memory_space<semaphore_mem>>) src(%dma_wait3A_86 : memref<400xi32, #tpu.memory_space<hbm>>) dst(%arg5 : memref<400xi32, #tpu.memory_space<vmem>>)
          tpu.yield
        }) : () -> ()
        %scan3A_74 = arith.constant 0 : i32
        %scan3A_75 = arith.constant 0 : i32
        %scan3A_76 = arith.constant 25 : i32
        %scan3A_77 = arith.addi %scan3A_75, %scan3A_76 : i32
        %scan3A_78 = arith.constant 1 : i32
        scf.for %scan3A_83 = %scan3A_75 to %scan3A_77 step %scan3A_78  : i32 {
          %mul3A_84 = arith.constant 16 : i32
          %mul3A_85 = arith.muli %scan3A_83, %mul3A_84 : i32
          %get3A = arith.index_cast %mul3A_85 : i32 to index
          %get3A_86 = tpu.vector_load %arg5[%get3A] {strides = array<i32>} : memref<400xi32, #tpu.memory_space<vmem>>, vector<16xi32>,
          %get3A_87 = vector.shape_cast %get3A_86 : vector<16xi32> to vector<16xi32>
          %add3A_88 = arith.constant 800000 : i32
          %add3A_89 = vector.broadcast %add3A_88 : i32 to vector<16xi32>
          %add3A_90 = arith.addi %get3A_87, %add3A_89 : vector<16xi32>
          %ge3A = arith.constant 1000000 : i32
          %ge3A_91 = vector.broadcast %ge3A : i32 to vector<16xi32>
          %ge3A_92 = arith.cmpi sge, %add3A_90, %ge3A_91 : vector<16xi32>
          %sub3A = arith.constant 1000000 : i32
          %sub3A_93 = vector.broadcast %sub3A : i32 to vector<16xi32>
          %sub3A_94 = arith.subi %add3A_90, %sub3A_93 : vector<16xi32>
          %select_n3A = arith.select %ge3A_92, %sub3A_94, %add3A_90 : vector<16xi1>, vector<16xi32>
          %mul3A_95 = arith.constant 16 : i32
          %mul3A_96 = arith.muli %scan3A_83, %mul3A_95 : i32
          %swap3A = arith.index_cast %mul3A_96 : i32 to index
          %swap3A_97 = tpu.vector_load %arg5[%swap3A] {strides = array<i32>} : memref<400xi32, #tpu.memory_space<vmem>>, vector<16xi32>,
          %swap3A_98 = vector.shape_cast %swap3A_97 : vector<16xi32> to vector<16xi32>
          %swap3A_99 = vector.shape_cast %select_n3A : vector<16xi32> to vector<16xi32>
          tpu.vector_store %arg5[%swap3A], %swap3A_99 {strides = array<i32>} : memref<400xi32, #tpu.memory_space<vmem>>, vector<16xi32>,
        }
        %scan3A_79 = arith.constant 25 : i32
        %dma_start3A_80 = arith.constant 0 : i32
        %dma_start3A_81 = arith.constant 0 : i32
        %dma_start3A_82 = tpu.memref_slice %arg3[%dma_start3A_80, %dma_start3A_81] : memref<1000000x128xf32, #tpu.memory_space<hbm>> -> memref<1000000x128xf32, #tpu.memory_space<hbm>>
        tpu.enqueue_indirect_dma source(%dma_start3A_82 : memref<1000000x128xf32, #tpu.memory_space<hbm>>) target(%arg7 : memref<400x128xf32, #tpu.memory_space<vmem>>) offsets(%arg5 : memref<400xi32, #tpu.memory_space<vmem>>) semaphore(%arg9 : memref<!tpu.dma_semaphore, #tpu.memory_space<semaphore_mem>>)
      } else {
      }
      %dma_wait3A_51 = arith.constant 0 : i32
      %dma_wait3A_52 = arith.constant 0 : i32
      %dma_wait3A_53 = tpu.memref_slice %arg3[%dma_wait3A_51, %dma_wait3A_52] : memref<1000000x128xf32, #tpu.memory_space<hbm>> -> memref<1000000x128xf32, #tpu.memory_space<hbm>>
      tpu.wait_indirect_dma semaphore(%arg10 : memref<!tpu.dma_semaphore, #tpu.memory_space<semaphore_mem>>) src(%dma_wait3A_53 : memref<1000000x128xf32, #tpu.memory_space<hbm>>) dst(%arg8 : memref<400x128xf32, #tpu.memory_space<vmem>>)
      %add3A_54 = arith.constant 400 : i32
      %add3A_55 = arith.addi %add3A_41, %add3A_54 : i32
      %dma_start3A_56 = arith.constant 0 : i32
      %dma_start3A_57 = tpu.memref_slice %arg4[%add3A_55, %dma_start3A_56] : memref<819200x128xf32, #tpu.memory_space<hbm>> -> memref<400x128xf32, #tpu.memory_space<hbm>>
      %dma_start3A_58 = arith.constant 0 : i32
      %dma_start3A_59 = tpu.memref_slice %arg4[%add3A_55, %dma_start3A_58] : memref<819200x128xf32, #tpu.memory_space<hbm>> -> memref<400x128xf32, #tpu.memory_space<hbm>>
      tpu.enqueue_dma source(%arg8 : memref<400x128xf32, #tpu.memory_space<vmem>>) target(%dma_start3A_59 : memref<400x128xf32, #tpu.memory_space<hbm>>) target_semaphore(%arg12 : memref<!tpu.dma_semaphore, #tpu.memory_space<semaphore_mem>>)
      %lt3A_60 = arith.constant 31 : i32
      %lt3A_61 = arith.cmpi slt, %scan3A_36, %lt3A_60 : i32
      %convert_element_type3A_62 = arith.extui %lt3A_61 : i1 to i32
      %cond3A_63 = arith.constant 0 : i32
      %cond3A_64 = arith.cmpi ne, %convert_element_type3A_62, %cond3A_63 : i32
      scf.if %cond3A_64 {
        %dma_wait3A_65 = arith.constant 0 : i32
        %dma_wait3A_66 = tpu.memref_slice %arg4[%mul3A_2, %dma_wait3A_65] : memref<819200x128xf32, #tpu.memory_space<hbm>> -> memref<400x128xf32, #tpu.memory_space<hbm>>
        %dma_wait3A_67 = arith.constant 0 : i32
        %dma_wait3A_68 = tpu.memref_slice %arg4[%mul3A_2, %dma_wait3A_67] : memref<819200x128xf32, #tpu.memory_space<hbm>> -> memref<400x128xf32, #tpu.memory_space<hbm>>
        tpu.wait_dma2 semaphore(%arg12 : memref<!tpu.dma_semaphore, #tpu.memory_space<semaphore_mem>>) src(%arg8 : memref<400x128xf32, #tpu.memory_space<vmem>>) dst(%dma_wait3A_68 : memref<400x128xf32, #tpu.memory_space<hbm>>)
        %add3A_69 = arith.constant 3 : i32
        %add3A_70 = arith.addi %mul3A_38, %add3A_69 : i32
        %mul3A_71 = arith.constant 400 : i32
        %mul3A_72 = arith.muli %add3A_70, %mul3A_71 : i32
        %add3A_73 = arith.addi %mul3A_2, %mul3A_72 : i32
        "tpu.region"() ({
          %run_scoped3A = tpu.sem_alloc : memref<!tpu.dma_semaphore, #tpu.memory_space<semaphore_mem>>
          %dma_start3A_83 = tpu.memref_slice %arg2[%add3A_73] : memref<819200xi32, #tpu.memory_space<hbm>> -> memref<400xi32, #tpu.memory_space<hbm>>
          %dma_start3A_84 = tpu.memref_slice %arg2[%add3A_73] : memref<819200xi32, #tpu.memory_space<hbm>> -> memref<400xi32, #tpu.memory_space<hbm>>
          tpu.enqueue_dma source(%dma_start3A_84 : memref<400xi32, #tpu.memory_space<hbm>>) target(%arg6 : memref<400xi32, #tpu.memory_space<vmem>>) target_semaphore(%run_scoped3A : memref<!tpu.dma_semaphore, #tpu.memory_space<semaphore_mem>>)
          %dma_wait3A_85 = tpu.memref_slice %arg2[%add3A_73] : memref<819200xi32, #tpu.memory_space<hbm>> -> memref<400xi32, #tpu.memory_space<hbm>>
          %dma_wait3A_86 = tpu.memref_slice %arg2[%add3A_73] : memref<819200xi32, #tpu.memory_space<hbm>> -> memref<400xi32, #tpu.memory_space<hbm>>
          tpu.wait_dma2 semaphore(%run_scoped3A : memref<!tpu.dma_semaphore, #tpu.memory_space<semaphore_mem>>) src(%dma_wait3A_86 : memref<400xi32, #tpu.memory_space<hbm>>) dst(%arg6 : memref<400xi32, #tpu.memory_space<vmem>>)
          tpu.yield
        }) : () -> ()
        %scan3A_74 = arith.constant 0 : i32
        %scan3A_75 = arith.constant 0 : i32
        %scan3A_76 = arith.constant 25 : i32
        %scan3A_77 = arith.addi %scan3A_75, %scan3A_76 : i32
        %scan3A_78 = arith.constant 1 : i32
        scf.for %scan3A_83 = %scan3A_75 to %scan3A_77 step %scan3A_78  : i32 {
          %mul3A_84 = arith.constant 16 : i32
          %mul3A_85 = arith.muli %scan3A_83, %mul3A_84 : i32
          %get3A = arith.index_cast %mul3A_85 : i32 to index
          %get3A_86 = tpu.vector_load %arg6[%get3A] {strides = array<i32>} : memref<400xi32, #tpu.memory_space<vmem>>, vector<16xi32>,
          %get3A_87 = vector.shape_cast %get3A_86 : vector<16xi32> to vector<16xi32>
          %add3A_88 = arith.constant 800000 : i32
          %add3A_89 = vector.broadcast %add3A_88 : i32 to vector<16xi32>
          %add3A_90 = arith.addi %get3A_87, %add3A_89 : vector<16xi32>
          %ge3A = arith.constant 1000000 : i32
          %ge3A_91 = vector.broadcast %ge3A : i32 to vector<16xi32>
          %ge3A_92 = arith.cmpi sge, %add3A_90, %ge3A_91 : vector<16xi32>
          %sub3A = arith.constant 1000000 : i32
          %sub3A_93 = vector.broadcast %sub3A : i32 to vector<16xi32>
          %sub3A_94 = arith.subi %add3A_90, %sub3A_93 : vector<16xi32>
          %select_n3A = arith.select %ge3A_92, %sub3A_94, %add3A_90 : vector<16xi1>, vector<16xi32>
          %mul3A_95 = arith.constant 16 : i32
          %mul3A_96 = arith.muli %scan3A_83, %mul3A_95 : i32
          %swap3A = arith.index_cast %mul3A_96 : i32 to index
          %swap3A_97 = tpu.vector_load %arg6[%swap3A] {strides = array<i32>} : memref<400xi32, #tpu.memory_space<vmem>>, vector<16xi32>,
          %swap3A_98 = vector.shape_cast %swap3A_97 : vector<16xi32> to vector<16xi32>
          %swap3A_99 = vector.shape_cast %select_n3A : vector<16xi32> to vector<16xi32>
          tpu.vector_store %arg6[%swap3A], %swap3A_99 {strides = array<i32>} : memref<400xi32, #tpu.memory_space<vmem>>, vector<16xi32>,
        }
        %scan3A_79 = arith.constant 25 : i32
        %dma_start3A_80 = arith.constant 0 : i32
        %dma_start3A_81 = arith.constant 0 : i32
        %dma_start3A_82 = tpu.memref_slice %arg3[%dma_start3A_80, %dma_start3A_81] : memref<1000000x128xf32, #tpu.memory_space<hbm>> -> memref<1000000x128xf32, #tpu.memory_space<hbm>>
        tpu.enqueue_indirect_dma source(%dma_start3A_82 : memref<1000000x128xf32, #tpu.memory_space<hbm>>) target(%arg8 : memref<400x128xf32, #tpu.memory_space<vmem>>) offsets(%arg6 : memref<400xi32, #tpu.memory_space<vmem>>) semaphore(%arg10 : memref<!tpu.dma_semaphore, #tpu.memory_space<semaphore_mem>>)
      } else {
      }
    }
    %scan3A_28 = arith.constant 32 : i32
    %dma_wait3A = arith.constant 0 : i32
    %dma_wait3A_29 = tpu.memref_slice %arg4[%mul3A_2, %dma_wait3A] : memref<819200x128xf32, #tpu.memory_space<hbm>> -> memref<400x128xf32, #tpu.memory_space<hbm>>
    %dma_wait3A_30 = arith.constant 0 : i32
    %dma_wait3A_31 = tpu.memref_slice %arg4[%mul3A_2, %dma_wait3A_30] : memref<819200x128xf32, #tpu.memory_space<hbm>> -> memref<400x128xf32, #tpu.memory_space<hbm>>
    tpu.wait_dma2 semaphore(%arg11 : memref<!tpu.dma_semaphore, #tpu.memory_space<semaphore_mem>>) src(%arg7 : memref<400x128xf32, #tpu.memory_space<vmem>>) dst(%dma_wait3A_31 : memref<400x128xf32, #tpu.memory_space<hbm>>)
    %dma_wait3A_32 = arith.constant 0 : i32
    %dma_wait3A_33 = tpu.memref_slice %arg4[%mul3A_2, %dma_wait3A_32] : memref<819200x128xf32, #tpu.memory_space<hbm>> -> memref<400x128xf32, #tpu.memory_space<hbm>>
    %dma_wait3A_34 = arith.constant 0 : i32
    %dma_wait3A_35 = tpu.memref_slice %arg4[%mul3A_2, %dma_wait3A_34] : memref<819200x128xf32, #tpu.memory_space<hbm>> -> memref<400x128xf32, #tpu.memory_space<hbm>>
    tpu.wait_dma2 semaphore(%arg12 : memref<!tpu.dma_semaphore, #tpu.memory_space<semaphore_mem>>) src(%arg8 : memref<400x128xf32, #tpu.memory_space<vmem>>) dst(%dma_wait3A_35 : memref<400x128xf32, #tpu.memory_space<hbm>>)
    return
  }
}

module attributes {stable_mosaic.version = 14 : i64} {
  func.func @_a_body(%arg0: i32, %arg1: memref<4000x128xf32, #tpu.memory_space<vmem>>, %arg2: memref<128x128xf32, #tpu.memory_space<vmem>>, %arg3: memref<4000x32xf32, #tpu.memory_space<vmem>>, %arg4: memref<128x32xbf16, #tpu.memory_space<vmem>>, %arg5: memref<4000x128xf32, #tpu.memory_space<vmem>>) attributes {dimension_semantics = [#tpu.dimension_semantics<arbitrary>], iteration_bounds = array<i64: 50>, scalar_prefetch = 0 : i64, scratch_operands = 0 : i64, tpu.core_type = #tpu.core_type<tc>, window_params = [{transform_indices = @transform_0, window_bounds = array<i64: 4000, 128>}, {pipeline_mode = #tpu.pipeline_mode<synchronous>, transform_indices = @transform_1, window_bounds = array<i64: 128, 128>}, {transform_indices = @transform_2, window_bounds = array<i64: 4000, 32>}, {pipeline_mode = #tpu.pipeline_mode<synchronous>, transform_indices = @transform_3, window_bounds = array<i64: 128, 32>}, {transform_indices = @transform_4, window_bounds = array<i64: 4000, 128>}]} {
    %lt3A = arith.constant 5 : i32
    %lt3A_0 = arith.cmpi slt, %arg0, %lt3A : i32
    %convert_element_type3A = arith.extui %lt3A_0 : i1 to i32
    %cond3A = arith.constant 0 : i32
    %cond3A_1 = arith.cmpi ne, %convert_element_type3A, %cond3A : i32
    scf.if %cond3A_1 {
      %get3A = arith.constant 0 : index
      %get3A_6 = arith.constant 0 : index
      %get3A_7 = vector.load %arg1[%get3A, %get3A_6] : memref<4000x128xf32, #tpu.memory_space<vmem>>, vector<4000x128xf32>
      %get3A_8 = arith.constant 0 : index
      %get3A_9 = arith.constant 0 : index
      %get3A_10 = vector.load %arg2[%get3A_8, %get3A_9] : memref<128x128xf32, #tpu.memory_space<vmem>>, vector<128x128xf32>
      %dot_general3A = arith.constant dense<0.000000e+00> : vector<4000x128xf32>
      %dot_general3A_11 = tpu.matmul %get3A_7, %get3A_10, %dot_general3A {dimension_numbers = #tpu.dot_dimension_numbers<[1], [1], [0], [0], [0, 0, 1, 0], [], []>, transpose_lhs_hint = false} : vector<4000x128xf32>, vector<128x128xf32>, vector<4000x128xf32> -> vector<4000x128xf32>
      %swap3A = arith.constant 0 : index
      %swap3A_12 = arith.constant 0 : index
      %swap3A_13 = vector.load %arg5[%swap3A, %swap3A_12] : memref<4000x128xf32, #tpu.memory_space<vmem>>, vector<4000x128xf32>
      tpu.vector_store %arg5[%swap3A, %swap3A_12], %dot_general3A_11 {strides = array<i32>} : memref<4000x128xf32, #tpu.memory_space<vmem>>, vector<4000x128xf32>,
    } else {
    }
    %ge3A = arith.constant 5 : i32
    %ge3A_2 = arith.cmpi sge, %arg0, %ge3A : i32
    %convert_element_type3A_3 = arith.extui %ge3A_2 : i1 to i32
    %cond3A_4 = arith.constant 0 : i32
    %cond3A_5 = arith.cmpi ne, %convert_element_type3A_3, %cond3A_4 : i32
    scf.if %cond3A_5 {
      %get3A = arith.constant 0 : index
      %get3A_6 = arith.constant 0 : index
      %get3A_7 = vector.load %arg3[%get3A, %get3A_6] : memref<4000x32xf32, #tpu.memory_space<vmem>>, vector<4000x32xf32>
      %convert_element_type3A_8 = arith.truncf %get3A_7 : vector<4000x32xf32> to vector<4000x32xbf16>
      %get3A_9 = arith.constant 0 : index
      %get3A_10 = arith.constant 0 : index
      %get3A_11 = vector.load %arg4[%get3A_9, %get3A_10] : memref<128x32xbf16, #tpu.memory_space<vmem>>, vector<128x32xbf16>
      %dot_general3A = arith.constant dense<0.000000e+00> : vector<4000x128xf32>
      %dot_general3A_12 = tpu.matmul %convert_element_type3A_8, %get3A_11, %dot_general3A {dimension_numbers = #tpu.dot_dimension_numbers<[1], [1], [0], [0], [0, 0, 1, 0], [], []>, transpose_lhs_hint = false} : vector<4000x32xbf16>, vector<128x32xbf16>, vector<4000x128xf32> -> vector<4000x128xf32>
      %swap3A = arith.constant 0 : index
      %swap3A_13 = arith.constant 0 : index
      %swap3A_14 = vector.load %arg5[%swap3A, %swap3A_13] : memref<4000x128xf32, #tpu.memory_space<vmem>>, vector<4000x128xf32>
      tpu.vector_store %arg5[%swap3A, %swap3A_13], %dot_general3A_12 {strides = array<i32>} : memref<4000x128xf32, #tpu.memory_space<vmem>>, vector<4000x128xf32>,
    } else {
    }
    return
  }
  func.func @transform_0(%arg0: i32) -> (i32, i32) {
    %jit3A = arith.constant 0 : i32
    %jit3A_0 = arith.constant 4 : i32
    %max3A = arith.maxsi %jit3A, %arg0 : i32
    %min3A = arith.minsi %jit3A_0, %max3A : i32
    %c0_i32 = arith.constant 0 : i32
    %c0_i32_1 = arith.constant 0 : i32
    return %min3A, %c0_i32 : i32, i32
  }
  func.func @transform_1(%arg0: i32) -> (i32, i32) {
    %c0_i32 = arith.constant 0 : i32
    %c0_i32_0 = arith.constant 0 : i32
    %c0_i32_1 = arith.constant 0 : i32
    return %c0_i32, %c0_i32_0 : i32, i32
  }
  func.func @transform_2(%arg0: i32) -> (i32, i32) {
    %sub3A = arith.constant 5 : i32
    %sub3A_0 = arith.subi %arg0, %sub3A : i32
    %jit3A = arith.constant 0 : i32
    %jit3A_1 = arith.constant 44 : i32
    %max3A = arith.maxsi %jit3A, %sub3A_0 : i32
    %min3A = arith.minsi %jit3A_1, %max3A : i32
    %c0_i32 = arith.constant 0 : i32
    %c0_i32_2 = arith.constant 0 : i32
    return %min3A, %c0_i32 : i32, i32
  }
  func.func @transform_3(%arg0: i32) -> (i32, i32) {
    %c0_i32 = arith.constant 0 : i32
    %c0_i32_0 = arith.constant 0 : i32
    %c0_i32_1 = arith.constant 0 : i32
    return %c0_i32, %c0_i32_0 : i32, i32
  }
  func.func @transform_4(%arg0: i32) -> (i32, i32) {
    %add3A = arith.constant 200 : i32
    %add3A_0 = arith.addi %add3A, %arg0 : i32
    %c0_i32 = arith.constant 0 : i32
    %c0_i32_1 = arith.constant 0 : i32
    return %add3A_0, %c0_i32 : i32, i32
  }
}

module attributes {stable_mosaic.version = 14 : i64} {
  func.func @_b_body(%arg0: i32, %arg1: memref<400x128xbf16, #tpu.memory_space<vmem>>, %arg2: memref<128x2048xbf16, #tpu.memory_space<vmem>>, %arg3: memref<1000000x128xf32, #tpu.memory_space<any>>, %arg4: memref<6400x128xf32, #tpu.memory_space<vmem>>) attributes {dimension_semantics = [#tpu.dimension_semantics<arbitrary>], iteration_bounds = array<i64: 125>, scalar_prefetch = 0 : i64, scratch_operands = 0 : i64, tpu.core_type = #tpu.core_type<tc>, window_params = [{transform_indices = @transform_0, window_bounds = array<i64: 400, 128>}, {pipeline_mode = #tpu.pipeline_mode<synchronous>, transform_indices = @transform_1, window_bounds = array<i64: 128, 2048>}, {}, {transform_indices = @transform_3, window_bounds = array<i64: 6400, 128>}]} {
    %get3A = arith.constant 0 : index
    %get3A_0 = arith.constant 0 : index
    %get3A_1 = vector.load %arg1[%get3A, %get3A_0] : memref<400x128xbf16, #tpu.memory_space<vmem>>, vector<400x128xbf16>
    %get3A_2 = arith.constant 0 : index
    %get3A_3 = arith.constant 0 : index
    %get3A_4 = vector.load %arg2[%get3A_2, %get3A_3] : memref<128x2048xbf16, #tpu.memory_space<vmem>>, vector<128x2048xbf16>
    %dot_general3A = arith.constant dense<0.000000e+00> : vector<400x2048xf32>
    %dot_general3A_5 = tpu.matmul %get3A_1, %get3A_4, %dot_general3A {dimension_numbers = #tpu.dot_dimension_numbers<[1], [0], [0], [1], [0, 0, 1, 1], [], []>, transpose_lhs_hint = false} : vector<400x128xbf16>, vector<128x2048xbf16>, vector<400x2048xf32> -> vector<400x2048xf32>
    %reshape3A = vector.shape_cast %dot_general3A_5 : vector<400x2048xf32> to vector<6400x128xf32>
    %swap3A = arith.constant 0 : index
    %swap3A_6 = arith.constant 0 : index
    %swap3A_7 = vector.load %arg4[%swap3A, %swap3A_6] : memref<6400x128xf32, #tpu.memory_space<vmem>>, vector<6400x128xf32>
    tpu.vector_store %arg4[%swap3A, %swap3A_6], %reshape3A {strides = array<i32>} : memref<6400x128xf32, #tpu.memory_space<vmem>>, vector<6400x128xf32>,
    return
  }
  func.func @transform_0(%arg0: i32) -> (i32, i32) {
    %c0_i32 = arith.constant 0 : i32
    %c0_i32_0 = arith.constant 0 : i32
    return %arg0, %c0_i32 : i32, i32
  }
  func.func @transform_1(%arg0: i32) -> (i32, i32) {
    %c0_i32 = arith.constant 0 : i32
    %c0_i32_0 = arith.constant 0 : i32
    %c0_i32_1 = arith.constant 0 : i32
    return %c0_i32, %c0_i32_0 : i32, i32
  }
  func.func @transform_3(%arg0: i32) -> (i32, i32) {
    %c0_i32 = arith.constant 0 : i32
    %c0_i32_0 = arith.constant 0 : i32
    return %arg0, %c0_i32 : i32, i32
  }
}

</mosaic_0001>

<sc_bundles>
// kernel: kernel.5.cloned.1.call-start
scs
__scs_entry_jumppad:
0x0: {  	(pc) =	sbr.rel $0x88, $3  }
0x1: {  	(tag) =	ssettag $0x0;
	lr =	simm.s32 $0x1  }
0x2: {  	[smem:$0x3F9A] =	sst lr;
	_ =	strace $0xD0000000  }
0x3: {  	_ = 	snop  }
0x4: {  	_ = 	snop  }
0x5: {  	_ = 	snop  }
0x6: {  	_ = 	snop  }
0x7: {  	_ = 	snop  }
__scs_overlays_trampoline_lowered:
0x8: {  	[smem:$0x3FA9] =	sst s0  }
0x9: {  	[smem:$0x3FAA] =	sst s1  }
0xa: {  	[smem:$0x3FAB] =	sst s2  }
0xb: {  	[smem:$0x3FAC] =	sst s3  }
0xc: {  	[smem:$0x3FAD] =	sst s4  }
0xd: {  	[smem:$0x3FAE] =	sst s5  }
0xe: {  	[smem:$0x3FAF] =	sst s6  }
0xf: {  	[smem:$0x3FB0] =	sst s7  }
0x10: {  	[smem:$0x3FB1] =	sst s8  }
0x11: {  	[smem:$0x3FB2] =	sst s9;
	s0 =	simm.s32 @!p0 $0x0  }
0x12: {  	s1 =	sld [smem:$0x3F98];
	s0 =	simm.s32 @p0 $0x1  }
0x13: {  	[smem:$0x3FB3] =	sst s0;
	s0 =	simm.s32 @!p1 $0x0  }
0x14: {  	s2 =	sld [smem:$0x3F97];
	s0 =	simm.s32 @p1 $0x1  }
0x15: {  	[smem:$0x3FB4] =	sst s0;
	s0 =	simm.s32 @!p2 $0x0  }
0x16: {  	s3 =	sld [smem:$0x3FDB];
	s0 =	simm.s32 @p2 $0x1  }
0x17: {  	s4 =	simm.s32 $0x1BF5;
	[smem:$0x3FB6] =	sst s0  }
0x18: {  	s0 =	sld [smem:$0x3F99];
	_ =	swait.ge [sflag:s4], $0x0  }
0x19: {  	s7 =	sld [smem:$0x3F9A]  }
0x1a: {  	s8 =	sadd.s32 $0xFFFFE003, lr  }
0x1b: {  	s9 =	sadd.s32 $0xFFFFFEF7, lr;
	s5 =	simm.s32 $0xFFFFFFFF;
	p2 =	slt.u32 s8, $0xFFFFF086  }
0x1c: {  	p1 =	slt.u32 s9, $0xF7A;
	s5 =	simm.s32 @!p2 $0x0  }
0x1d: {  	s5 =	simm.s32 @p1 $0x1;
	p0 =	seq.s32 s7, s2  }
0x1e: {  	s7 =	smul.u32 @!p0 $0xF7A, s2;
	p2 =	seq.s32 @!p0 s5, $0x0  }
0x1f: {  	s9 =	smul.u32 $0xF7A, s1;
	s8 =	simm.s32 @!p0 $0x1BF5;
	p2 =	por !p2, p0  }
0x20: {  	[sflag:s8] =	ssyncset.s32 @!p0 $0xFFFFF086;
	s6 =	sadd.s32 @!p0 s3, s7;
	s7 =	simm.s32 @!p0 $0x108  }
0x21: {  	s3 =	sadd.s32 s3, s9;
	s6 =	sadd.s32 @!p0 $0x88, s6;
	s7 =	simm.s32 @p2 $0x1082  }
0x22: {  	[simem:s7], [sflag:s8] =	dma.local @!p0 [hbm:s6], $0xF7A  }
0x23: {  	s9 =	sor.u32 $0xD0000000, s2;
	s6 =	simm.s32 $0x108;
	_ =	swait.ge @!p0 [sflag:s8], $0x0  }
0x24: {  	s3 =	sadd.s32 $0x88, s3;
	s6 =	simm.s32 @!p1 $0x1082;
	[sflag:s4] =	ssyncset.s32 $0xFFFFF086  }
0x25: {  	[simem:s6], [sflag:s4] =	dma.local [hbm:s3], $0xF7A  }
0x26: {  	[smem:$0x3F9A] =	sst s1;
	(tag) =	ssettag s2;
	_ =	strace s9  }
0x27: {  	s1 =	sld [smem:$0x3FAA]  }
0x28: {  	s2 =	sld [smem:$0x3FAB]  }
0x29: {  	s4 =	sld [smem:$0x3FAD]  }
0x2a: {  	p0 =	seq.s32 s5, $0x0;
	s5 =	sld [smem:$0x3FAE]  }
0x2b: {  	s6 =	sld [smem:$0x3FAF]  }
0x2c: {  	s7 =	sld [smem:$0x3FB0]  }
0x2d: {  	s3 =	simm.s32 $0x108;
	s8 =	sld [smem:$0x3FB1]  }
0x2e: {  	s3 =	simm.s32 @!p0 $0x1082;
	s9 =	sld [smem:$0x3FB2]  }
0x2f: {  	lr =	sadd.s32 s0, s3;
	s0 =	sld [smem:$0x3FA9]  }
0x30: {  	s3 =	sld [smem:$0x3FAC]  }
0x31: {  	[smem:$0x3FB5] =	sst s10  }
0x32: {  	s10 =	sld [smem:$0x3FB3];
	_ =	sdelay $0x3  }
0x33: {  	p0 =	seq.s32 s10, $0x1;
	s10 =	sld [smem:$0x3FB5];
	_ =	sdelay $0x3  }
0x34: {  	[smem:$0x3FB5] =	sst s10  }
0x35: {  	s10 =	sld [smem:$0x3FB4];
	_ =	sdelay $0x3  }
0x36: {  	p1 =	seq.s32 s10, $0x1;
	s10 =	sld [smem:$0x3FB5];
	_ =	sdelay $0x3  }
0x37: {  	[smem:$0x3FB5] =	sst s10  }
0x38: {  	s10 =	sld [smem:$0x3FB6]  }
0x39: {  	_ = 	snop;
	(pc) =	sbr.ind lr, $3  }
0x3a: {  	_ = 	snop  }
0x3b: {  	_ = 	snop  }
0x3c: {  	p2 =	seq.s32 s10, $0x1;
	s10 =	sld [smem:$0x3FB5]  }
0x3d: {  	_ =	shalt  }
0x3e: {  	_ =	shalt  }
0x3f: {  	_ =	shalt  }
0x40: {  	_ =	shalt  }
0x41: {  	_ =	shalt  }
0x42: {  	_ =	shalt  }
0x43: {  	_ =	shalt  }
0x44: {  	_ =	shalt  }
0x45: {  	_ =	shalt  }
0x46: {  	_ =	shalt  }
0x47: {  	_ =	shalt  }
0x48: {  	_ =	shalt  }
0x49: {  	_ =	shalt  }
0x4a: {  	_ =	shalt  }
0x4b: {  	_ =	shalt  }
0x4c: {  	_ =	shalt  }
0x4d: {  	_ =	shalt  }
0x4e: {  	_ =	shalt  }
0x4f: {  	_ =	shalt  }
0x50: {  	_ =	shalt  }
0x51: {  	_ =	shalt  }
0x52: {  	_ =	shalt  }
0x53: {  	_ =	shalt  }
0x54: {  	_ =	shalt  }
0x55: {  	_ =	shalt  }
0x56: {  	_ =	shalt  }
0x57: {  	_ =	shalt  }
0x58: {  	_ =	shalt  }
0x59: {  	_ =	shalt  }
0x5a: {  	_ =	shalt  }
0x5b: {  	_ =	shalt  }
0x5c: {  	_ =	shalt  }
0x5d: {  	_ =	shalt  }
0x5e: {  	_ =	shalt  }
0x5f: {  	_ =	shalt  }
0x60: {  	_ =	shalt  }
0x61: {  	_ =	shalt  }
0x62: {  	_ =	shalt  }
0x63: {  	_ =	shalt  }
0x64: {  	_ =	shalt  }
0x65: {  	_ =	shalt  }
0x66: {  	_ =	shalt  }
0x67: {  	_ =	shalt  }
0x68: {  	_ =	shalt  }
0x69: {  	_ =	shalt  }
0x6a: {  	_ =	shalt  }
0x6b: {  	_ =	shalt  }
0x6c: {  	_ =	shalt  }
0x6d: {  	_ =	shalt  }
0x6e: {  	_ =	shalt  }
0x6f: {  	_ =	shalt  }
0x70: {  	_ =	shalt  }
0x71: {  	_ =	shalt  }
0x72: {  	_ =	shalt  }
0x73: {  	_ =	shalt  }
0x74: {  	_ =	shalt  }
0x75: {  	_ =	shalt  }
0x76: {  	_ =	shalt  }
0x77: {  	_ =	shalt  }
0x78: {  	_ =	shalt  }
0x79: {  	_ =	shalt  }
0x7a: {  	_ =	shalt  }
0x7b: {  	_ =	shalt  }
0x7c: {  	_ =	shalt  }
0x7d: {  	_ =	shalt  }
0x7e: {  	_ =	shalt  }
0x7f: {  	_ =	shalt  }
0x80: {  	_ =	shalt  }
0x81: {  	_ =	shalt  }
0x82: {  	_ =	shalt  }
0x83: {  	_ =	shalt  }
0x84: {  	_ =	shalt  }
0x85: {  	_ =	shalt  }
0x86: {  	_ =	shalt  }
0x87: {  	_ =	shalt  }
.Lfunc_end0:
.L_simem_size_0:
called_computation_lowered:
.L_overlay_start_0:
0x88: {  	s2 =	sld [smem:$0x3FD9]  }
0x89: {  	s3 =	sld [smem:$0x3FFE];
	_ =	sdelay $0x1  }
0x8a: {  	s1 =	srdreg.scid  }
0x8b: {  	s0 =	sand.u32 $0x1, s1  }
0x8c: {  	s17 =	sshll.u32 s0, $0xA;
	s2 =	sadd.s32 s3, s2  }
0x8d: {  	s2 =	sadd.s32 s2, s17  }
0x8e: {  	[smem:$0x3FC1] =	sst s2  }
0x8f: {  	_ = 	snop  }
0x90: {  	s2 =	sld [smem:$0x3FD0];
	(tm) =	ssettm $0x1  }
0x91: {  	s18 =	sld [smem:$0x3FFB];
	_ =	sdelay $0x3  }
0x92: {  	_ =	strace s18  }
0x93: {  	s3 =	sld [smem:$0x3FFC];
	_ =	sdelay $0x3  }
0x94: {  	_ =	strace s3  }
0x95: {  	s3 =	sld [smem:$0x3FFD];
	_ =	sdelay $0x3  }
0x96: {  	_ =	strace s3  }
0x97: {  	_ =	strace $0x8FFFFFFF  }
0x98: {  	s19 =	sld [smem:$0x3FDB];
	_ =	sdelay $0x1  }
0x99: {  	s4 =	simm.s32 $_scs_section_size  }
0x9a: {  	s5 =	simm.s32 $_size__tile_overlayer_lowered;
	s6 =	simm.s32 $_tile_overlayer_lowered  }
0x9b: {  	s22 =	simm.s32 $0x1BFF;
	s21 =	sshll.u32 s6, $0x1;
	s3 =	sadd.s32 s4, s19  }
0x9c: {  	s7 =	simm.s32 $0x0;
	s20 =	sshll.u32 s5, $0x1;
	s5 =	sadd.s32 s21, s3  }
0x9d: {  	[timem:s7], [sflag:s22] =	dma.local [hbm:s5], s20  }
0x9e: {  	_ =	swait.ge [sflag:s22], s20  }
0x9f: {  	s4 =	ssub.s32 $0x0, s20;
	[sflag:s22] =	ssyncset.done $0x0  }
0xa0: {  	[sflag:s22] =	ssyncadd.s32 s4;
	_ =	sdelay $0x1  }
0xa1: {  	s23 =	simm.s32 $0x1B8B  }
0xa2: {  	_ =	swait.ge [sflag:s23], $0x1  }
0xa3: {  	[sflag:s23] =	ssyncset.done $0x0  }
0xa4: {  	s25 =	simm.s32 $0x1B8E;
	s24 =	sld [smem:$0x3FFE];
	[sflag:s23] =	ssyncadd.s32 $0xFFFFFFFF  }
0xa5: {  	s26 =	simm.s32 $execute0_lowered;
	[smem:$0x3FD2] =	sst s25  }
0xa6: {  	s5 =	sshll.u32 s26, $0x1;
	_ =	strace $0x80000046;
	[dreg:$0x1] =	wrdreg $0xFFFFFFFF  }
0xa7: {  	s28 =	simm.s32 $_size_execute0_lowered;
	s3 =	sadd.s32 s3, s5;
	[dreg:$0x0] =	wrdreg $0x0  }
0xa8: {  	s5 =	sshll.u32 s28, $0x1;
	[dreg:$0x2] =	wrdreg s3  }
0xa9: {  	[dreg:$0x3] =	wrdreg s5  }
0xaa: {  	[dreg:$0x4] =	wrdreg $0xC0  }
0xab: {  	_ =	task [dreg:s7], $0x5FFFF  }
0xac: {  	[dreg:$0x1] =	wrdreg $0xFFFFFFFF  }
0xad: {  	[dreg:$0x0] =	wrdreg $0x60  }
0xae: {  	[dreg:$0x2] =	wrdreg s24  }
0xaf: {  	[dreg:$0x3] =	wrdreg s2  }
0xb0: {  	[dreg:$0x4] =	wrdreg $0x9  }
0xb1: {  	_ =	task.clear_ibuf [dreg:s7], $0x5FFFF;
	_ =	strace $0x90000046  }
0xb2: {  	s29 =	simm.s32 $0x9;
	_ =	strace $0x80000048  }
0xb3: {  	_ =	swait.ge [sflag:s29], $0x1  }
0xb4: {  	[sflag:s29] =	ssyncadd.s32 $0xFFFFFFFF  }
0xb5: {  	_ =	strace $0x90000048  }
0xb6: {  	_ =	sfence  }
0xb7: {  	s30 =	sld [smem:$0x0];
	_ =	sdelay $0x2  }
0xb8: {  	s31 =	sshll.u32 s1, $0xD;
	s1 =	sshrl.u32 s1, $0x2  }
0xb9: {  	s3 =	sand.u32 $0x4000, s31;
	s1 =	sadd.s32 s1, s30  }
0xba: {  	s0 =	sor.u32 s3, s0;
	s1 =	sshll.u32 s1, $0x11  }
0xbb: {  	s0 =	sor.u32 s1, s0  }
0xbc: {  	s0 =	sadd.s32 $0x8F2B, s0  }
0xbd: {  	[sflag:s0] =	ssyncadd.remote.s32 $0x1  }
0xbe: {  	_ =	sfence.sel $0xFFFF  }
0xbf: {  	[dreg:$0x0] =	wrdreg $0xFFFFFFFF;
	(pc) =	sbr.abs _section_cstart, $3  }
0xc0: {  	[dreg:$0x1] =	wrdreg $0xFFFFFFFF  }
0xc1: {  	_ =	task.clear_ibuf [dreg:s7], $0x2FFFF;
	_ =	strace $0x9FFFFFFF  }
0xc2: {  	(tm) =	ssettm $0x7FFFFFFF  }
0xc3: {  	_ =	shalt  }
tec
execute0_lowered:
.L_overlay_start_1:
0x0: {  	(tag) =	ssettag $0x1  }
0x1: {  	s6 =	rddreg [dreg:$0x0]  }
0x2: {  	s1 =	srdreg.scid;
	s0 =	stileid.u32  }
0x3: {  	s2 =	rddreg [dreg:$0x1];
	s3 =	simm.s32 $0x0;
	s15 =	simm.s32 $0x5  }
0x4: {  	s16 =	simm.s32 $0x190;
	s17 =	simm.s32 $0x400;
	s18 =	simm.s32 $0x200  }
0x5: {  	s19 =	simm.s32 $0xCC00;
	s20 =	simm.s32 $0x1;
	s21 =	simm.s32 $0x3  }
0x6: {  	s22 =	simm.s32 $0x2;
	s23 =	simm.s32 $0x4;
	s24 =	simm.s32 $0x0  }
0x7: {  	s7 =	sand.u32 $0x1, s1;
	s4 =	sshll.u32 s0, $0x1;
	s1 =	rddreg [dreg:$0x2]  }
0x8: {  	[smem:$0x7FF] =	sst s3;
	s5 =	sadd.s32 $0x322E00, s6;
	s9 =	sor.u32 s7, s4  }
0x9: {  	s6 =	sadd.s32 $0x33BE00, s6;
	s8 =	ssub.s32 $0x2, s7;
	s4 =	smul.u32 $0x6400, s9  }
0xa: {  	s11 =	sadd.s32 $0x1900, s2;
	_ =	strace $0x80000047;
	s10 =	sshrl.u32 s8, $0x1  }
0xb: {  	s9 =	smul.u32 $0x64000, s9;
	s13 =	ssub.s32 s8, s10;
	s31 =	sshrl.u32 s4, $0x3  }
0xc: {  	s10 =	sor.u32 $0x320, s4;
	s12 =	sadd.s32 $0x4B0, s4;
	s7 =	sadd.s32 s5, s31  }
0xd: {  	s13 =	smax.u32 s13, $0x1;
	s14 =	sadd.s32 s2, s9;
	s8 =	sadd.s32 $0x32, s7  }
.LBB2_1:
0xe: {  	[tilespmem:s3], [sflag:$0x5] =	stream.linear.gather [hbm4b:s7+s3], $0x190, $0x38;
	[tilespmem:$0x19400] =	vst v63  }
0xf: {  	_ =	swait.ge [sflag:s15], $0x190  }
0x10: {  	[sflag:s15] =	ssyncset.done $0x0  }
0x11: {  	s25 =	simm.s32 $0x0;
	s26 =	simm.s32 $0x40;
	[sflag:s15] =	ssyncadd.s32 $0xFFFFFE70  }
.LBB2_2:
0x12: {  	p0 =	sne.s32 s26, $0x600;
	v0 =	vld [tilespmem:s25+$0x0];
	_ =	sdelay $0x3  }
.Ltmp0:
0x13: {  	(pc) =	sbr.rel @p0 .LBB2_2-.Ltmp0, $4  }
0x14: {  	v1 =	vadd.s32 $0xC3500, v0  }
0x15: {  	v0 =	vadd.s32 $0xFFFCF2C0, v0;
	vm0 =	vgt.s32 v1, $0xF423F  }
0x16: {  	v0 =	vsel vm0, v0, v1  }
0x17: {  	[tilespmem:s25+$0x0] =	vst v0;
	s25 =	sshra.s32 s26, $0x2;
	s26 =	sadd.s32 $0x40, s26  }
0x18: {  	v0 =	vld [tilespmem:s25+$0x0];
	_ =	sdelay $0x4  }
0x19: {  	v1 =	vadd.s32 $0xC3500, v0  }
0x1a: {  	v0 =	vadd.s32 $0xFFFCF2C0, v0;
	vm0 =	vgt.s32 v1, $0xF423F  }
0x1b: {  	v0 =	vsel vm0, v0, v1  }
0x1c: {  	s31 =	simm.s32 $0x0;
	[tilespmem:s25+$0x0] =	vst v0  }
0x1d: {  	[tilespmem:s17], [sflag:$0x1] =	stream.indirect.gather [hbm4b:s6+s16], $0x80, s31, s16, $0xb8;
	[tilespmem:$0x19400] =	vst v63  }
0x1e: {  	_ = 	snop  }
0x1f: {  	[tilespmem:s18], [sflag:$0x5] =	stream.linear.gather [hbm4b:s8+s31], $0x190, $0x38;
	[tilespmem:$0x19400] =	vst v63  }
0x20: {  	_ =	swait.ge [sflag:s15], $0x190  }
0x21: {  	[sflag:s15] =	ssyncset.done $0x0  }
0x22: {  	s26 =	simm.s32 $0x40;
	s25 =	simm.s32 $0x0;
	[sflag:s15] =	ssyncadd.s32 $0xFFFFFE70  }
.LBB2_4:
0x23: {  	p0 =	sne.s32 s26, $0x600;
	v0 =	vld [tilespmem:s25+$0x200];
	_ =	sdelay $0x3  }
.Ltmp1:
0x24: {  	(pc) =	sbr.rel @p0 .LBB2_4-.Ltmp1, $4  }
0x25: {  	v1 =	vadd.s32 $0xC3500, v0  }
0x26: {  	v0 =	vadd.s32 $0xFFFCF2C0, v0;
	vm0 =	vgt.s32 v1, $0xF423F  }
0x27: {  	v0 =	vsel vm0, v0, v1  }
0x28: {  	[tilespmem:s25+$0x200] =	vst v0;
	s25 =	sshra.s32 s26, $0x2;
	s26 =	sadd.s32 $0x40, s26  }
0x29: {  	v0 =	vld [tilespmem:s25+$0x200];
	_ =	sdelay $0x4  }
0x2a: {  	v1 =	vadd.s32 $0xC3500, v0  }
0x2b: {  	v0 =	vadd.s32 $0xFFFCF2C0, v0;
	vm0 =	vgt.s32 v1, $0xF423F  }
0x2c: {  	v0 =	vsel vm0, v0, v1  }
0x2d: {  	[tilespmem:s25+$0x200] =	vst v0  }
0x2e: {  	[tilespmem:s19], [sflag:$0x2] =	stream.indirect.gather [hbm4b:s6+s16], $0x80, s18, s16, $0xb8;
	[tilespmem:$0x19400] =	vst v63  }
0x2f: {  	_ =	swait.ge [sflag:s20], $0xC800  }
0x30: {  	s29 =	smov.u32 s9;
	s28 =	simm.s32 $0x0;
	[sflag:s20] =	ssyncset.done $0x0  }
0x31: {  	s26 =	simm.s32 $0x0;
	s25 =	simm.s32 $0x0;
	[sflag:s20] =	ssyncadd.s32 $0xFFFF3800  }
0x32: {  	[hbm4b:s14+s25] =	stream.linear.scatter [tilespmem:s17], [sflag:$0x3], $0xC800, $0x38;
	[tilespmem:$0x19400] =	vst v63  }
.LBB2_6:
0x33: {  	_ =	swait.ge [sflag:s21], $0xC800;
	s30 =	sadd.s32 s28, s10  }
0x34: {  	[sflag:s21] =	ssyncset.done $0x0;
	s30 =	sshrl.u32 s30, $0x3  }
0x35: {  	[sflag:s21] =	ssyncadd.s32 $0xFFFF3800;
	s30 =	sadd.s32 s5, s30  }
0x36: {  	[tilespmem:s25], [sflag:$0x5] =	stream.linear.gather [hbm4b:s30+s25], $0x190, $0x38;
	[tilespmem:$0x19400] =	vst v63  }
0x37: {  	_ =	swait.ge [sflag:s15], $0x190  }
0x38: {  	[sflag:s15] =	ssyncset.done $0x0  }
0x39: {  	s31 =	simm.s32 $0x40;
	s30 =	simm.s32 $0x0;
	[sflag:s15] =	ssyncadd.s32 $0xFFFFFE70  }
.LBB2_7:
0x3a: {  	p0 =	sne.s32 s31, $0x600;
	v0 =	vld [tilespmem:s30+$0x0];
	_ =	sdelay $0x3  }
.Ltmp2:
0x3b: {  	(pc) =	sbr.rel @p0 .LBB2_7-.Ltmp2, $4  }
0x3c: {  	v1 =	vadd.s32 $0xC3500, v0  }
0x3d: {  	v0 =	vadd.s32 $0xFFFCF2C0, v0;
	vm0 =	vgt.s32 v1, $0xF423F  }
0x3e: {  	v0 =	vsel vm0, v0, v1  }
0x3f: {  	[tilespmem:s30+$0x0] =	vst v0;
	s30 =	sshra.s32 s31, $0x2;
	s31 =	sadd.s32 $0x40, s31  }
0x40: {  	v0 =	vld [tilespmem:s30+$0x0];
	_ =	sdelay $0x4  }
0x41: {  	v1 =	vadd.s32 $0xC3500, v0  }
0x42: {  	v0 =	vadd.s32 $0xFFFCF2C0, v0;
	vm0 =	vgt.s32 v1, $0xF423F  }
0x43: {  	v0 =	vsel vm0, v0, v1  }
0x44: {  	s31 =	simm.s32 $0x0;
	[tilespmem:s30+$0x0] =	vst v0  }
0x45: {  	[tilespmem:s17], [sflag:$0x1] =	stream.indirect.gather [hbm4b:s6+s16], $0x80, s31, s16, $0xb8;
	[tilespmem:$0x19400] =	vst v63  }
0x46: {  	_ =	swait.ge [sflag:s22], $0xC800  }
0x47: {  	[sflag:s22] =	ssyncset.done $0x0  }
0x48: {  	s29 =	sadd.s32 s29, s11;
	[sflag:s22] =	ssyncadd.s32 $0xFFFF3800  }
0x49: {  	[hbm4b:s29+s31] =	stream.linear.scatter [tilespmem:s19], [sflag:$0x4], $0xC800, $0x38;
	[tilespmem:$0x19400] =	vst v63  }
0x4a: {  	s28 =	sadd.s32 s28, s12;
	_ =	swait.ge [sflag:s23], $0xC800  }
0x4b: {  	s28 =	sshrl.u32 s28, $0x3;
	[sflag:s23] =	ssyncset.done $0x0  }
0x4c: {  	s28 =	sadd.s32 s5, s28;
	[sflag:s23] =	ssyncadd.s32 $0xFFFF3800  }
0x4d: {  	[tilespmem:s18], [sflag:$0x5] =	stream.linear.gather [hbm4b:s28+s31], $0x190, $0x38;
	[tilespmem:$0x19400] =	vst v63  }
0x4e: {  	_ =	swait.ge [sflag:s15], $0x190  }
0x4f: {  	[sflag:s15] =	ssyncset.done $0x0  }
0x50: {  	s29 =	simm.s32 $0x40;
	s28 =	simm.s32 $0x0;
	[sflag:s15] =	ssyncadd.s32 $0xFFFFFE70  }
.LBB2_9:
0x51: {  	p0 =	sne.s32 s29, $0x600;
	v0 =	vld [tilespmem:s28+$0x200];
	_ =	sdelay $0x3  }
.Ltmp3:
0x52: {  	(pc) =	sbr.rel @p0 .LBB2_9-.Ltmp3, $4  }
0x53: {  	v1 =	vadd.s32 $0xC3500, v0  }
0x54: {  	v0 =	vadd.s32 $0xFFFCF2C0, v0;
	vm0 =	vgt.s32 v1, $0xF423F  }
0x55: {  	v0 =	vsel vm0, v0, v1  }
0x56: {  	[tilespmem:s28+$0x200] =	vst v0;
	s28 =	sshra.s32 s29, $0x2;
	s29 =	sadd.s32 $0x40, s29  }
0x57: {  	v0 =	vld [tilespmem:s28+$0x200];
	_ =	sdelay $0x4  }
0x58: {  	v1 =	vadd.s32 $0xC3500, v0  }
0x59: {  	v0 =	vadd.s32 $0xFFFCF2C0, v0;
	vm0 =	vgt.s32 v1, $0xF423F  }
0x5a: {  	s26 =	sadd.s32 $0x1, s26;
	v0 =	vsel vm0, v0, v1  }
0x5b: {  	p0 =	sne.s32 s26, $0x1F;
	[tilespmem:s28+$0x200] =	vst v0;
	s28 =	smul.u32 $0x320, s26  }
0x5c: {  	[tilespmem:s19], [sflag:$0x2] =	stream.indirect.gather [hbm4b:s6+s16], $0x80, s18, s16, $0xb8;
	[tilespmem:$0x19400] =	vst v63  }
.Ltmp4:
0x5d: {  	_ = 	snop;
	(pc) =	sbr.rel @p0 .LBB2_6-.Ltmp4, $4  }
0x5e: {  	s29 =	sadd.s32 s4, s28;
	_ =	swait.ge [sflag:s20], $0xC800  }
0x5f: {  	[sflag:s20] =	ssyncset.done $0x0;
	s29 =	sshll.u32 s29, $0x4  }
0x60: {  	[sflag:s20] =	ssyncadd.s32 $0xFFFF3800;
	s30 =	sadd.s32 s2, s29  }
0x61: {  	[hbm4b:s30+s3] =	stream.linear.scatter [tilespmem:s17], [sflag:$0x3], $0xC800, $0x38;
	[tilespmem:$0x19400] =	vst v63  }
0x62: {  	_ =	swait.ge [sflag:s22], $0xC800  }
0x63: {  	[sflag:s22] =	ssyncset.done $0x0  }
0x64: {  	s25 =	sadd.s32 s29, s11;
	s24 =	sadd.s32 $0x1, s24;
	[sflag:s22] =	ssyncadd.s32 $0xFFFF3800  }
0x65: {  	[hbm4b:s25+s3] =	stream.linear.scatter [tilespmem:s19], [sflag:$0x4], $0xC800, $0x38;
	[tilespmem:$0x19400] =	vst v63  }
0x66: {  	p0 =	sne.s32 s24, s13;
	_ =	swait.ge [sflag:s21], $0xC800  }
.Ltmp5:
0x67: {  	[sflag:s21] =	ssyncset.done $0x0;
	(pc) =	sbr.rel @p0 .LBB2_1-.Ltmp5, $4  }
0x68: {  	[sflag:s21] =	ssyncadd.s32 $0xFFFF3800  }
0x69: {  	_ =	swait.ge [sflag:s23], $0xC800  }
0x6a: {  	[sflag:s23] =	ssyncset.done $0x0  }
0x6b: {  	[sflag:s23] =	ssyncadd.s32 $0xFFFF3800  }
0x6c: {  	_ =	sfence.sel $0x180000  }
0x6d: {  	[bflag:$0x0] =	sbarrier.arrive $0xFFFF  }
0x6e: {  	p0 =	sne.s32 s0, $0x0;
	_ =	strace $0x90000047  }
0x6f: {  	s0 =	sadd.s32 @!p0 $0x100000, s1;
	[bflag:$0x2] =	sbarrier.arrive $0xFFFF  }
0x70: {  	[sflag:s0] =	ssyncadd.tile.s32 @!p0 $0x1;
	_ =	shalt  }
.Lfunc_end2:
_tile_overlayer_lowered:
.L_overlay_start_2:
0x71: {  	(tag) =	ssettag $0x2  }
0x72: {  	s0 =	rddreg [dreg:$0x0];
	s2 =	stileid.u32  }
0x73: {  	s1 =	rddreg [dreg:$0x1];
	p0 =	sne.s32 s2, $0x0  }
0x74: {  	s3 =	rddreg [dreg:$0x2];
	[bflag:$0x3] =	sbarrier.arrive $0xFFFF;
	s2 =	simm.s32 @!p0 $0x1C05  }
0x75: {  	[timem:s3], [sflag:s2] =	dma.local @!p0 [hbm:s0], s1  }
0x76: {  	s0 =	simm.s32 @!p0 $0x5  }
0x77: {  	_ =	swait.ge @!p0 [sflag:s0], s1  }
0x78: {  	s1 =	ssub.s32 @!p0 $0x0, s1;
	[sflag:s0] =	ssyncset.done @!p0 $0x0  }
0x79: {  	[sflag:s0] =	ssyncadd.s32 @!p0 s1  }
0x7a: {  	[bflag:$0x3] =	sbarrier.arrive $0xFFFF  }
0x7b: {  	_ =	shalt  }

</sc_bundles>
